<compile_context>
chip_gen: v7x
topology: tpu7x:2x2x1
jax: 0.10.2.dev20260603
libtpu: 0.0.44.dev20260713+nightly
codegen_flags: <defaults>
</compile_context>

<pallas_src>
import jax
import jax.numpy as jnp
from jax.experimental import pallas as pl
from jax.experimental.pallas import tpu as pltpu

SEQ = 16384
N = SEQ - 2
V = 1000
D = 128
BLK = 256
WIN = BLK + 8
NBLK = SEQ // BLK


def _cbow_block(win_ref, wemb_ref, wlin_t_ref, b_ref, out_ref, nll_ref):
    win = win_ref[0]
    iota_v = jax.lax.broadcasted_iota(jnp.int32, (WIN, V), 1)
    onehot = (win == iota_v).astype(jnp.bfloat16)
    emb = jnp.dot(onehot, wemb_ref[:], preferred_element_type=jnp.float32)
    emb = jnp.tanh(emb)
    x = (emb[0:BLK] + emb[2:BLK + 2]).astype(jnp.bfloat16)
    logits = jnp.dot(x, wlin_t_ref[:], preferred_element_type=jnp.float32)
    logits = logits + b_ref[:]
    m = jnp.max(logits, axis=1, keepdims=True)
    ex = jnp.exp(logits - m)
    lse = m + jnp.log(jnp.sum(ex, axis=1, keepdims=True))
    pred = logits - lse
    out_ref[:] = pred
    tgt = win[1:BLK + 1]
    picked = jnp.sum(jnp.where(iota_v[0:BLK] == tgt, pred, 0.0),
                     axis=1, keepdims=True)
    nll_ref[:] = -picked


def kernel(sentences, W_emb, W_lin, b_lin):
    sentences = sentences.astype(jnp.int32)
    padded = jnp.concatenate(
        [sentences, jnp.zeros((WIN,), jnp.int32)])
    base = jnp.arange(NBLK, dtype=jnp.int32) * BLK
    offs = jnp.arange(WIN, dtype=jnp.int32)
    win = jnp.take(padded, base[:, None] + offs[None, :], axis=0)
    win = win.reshape(NBLK, WIN, 1)

    wemb_bf = W_emb.astype(jnp.bfloat16)
    wlin_t = W_lin.T.astype(jnp.bfloat16)
    b2 = b_lin.reshape(1, V)

    pred, nll = pl.pallas_call(
        _cbow_block,
        grid=(NBLK,),
        in_specs=[
            pl.BlockSpec((1, WIN, 1), lambda i: (i, 0, 0)),
            pl.BlockSpec((V, D), lambda i: (0, 0)),
            pl.BlockSpec((D, V), lambda i: (0, 0)),
            pl.BlockSpec((1, V), lambda i: (0, 0)),
        ],
        out_specs=[
            pl.BlockSpec((BLK, V), lambda i: (i, 0)),
            pl.BlockSpec((BLK, 1), lambda i: (i, 0)),
        ],
        out_shape=[
            jax.ShapeDtypeStruct((N, V), jnp.float32),
            jax.ShapeDtypeStruct((N, 1), jnp.float32),
        ],
        compiler_params=pltpu.CompilerParams(
            dimension_semantics=("parallel",)),
    )(win, wemb_bf, wlin_t, b2)

    loss = jnp.mean(nll[:, 0])
    targets = sentences[1:-1]
    return (loss, targets, pred)

# --- scband reference (transcript-rebuilt; emitter-appended) ---
"""Pipeline reference for scband-cbow-2070174237271 (READ-ONLY COPY).

The authoritative reference and input builder live on the scoring server;
editing this copy changes nothing except your own understanding.
"""

import jax, jax.numpy as jnp
import numpy as np

VOCAB = 1000
WORD_SIZE = 128
SEQ_LEN = 16384


def setup_inputs(seed: int = 0) -> dict:
    key = jax.random.key(seed)
    k1, k2, k3 = jax.random.split(key, 3)
    sentences = jax.random.randint(k1, (SEQ_LEN,), 0, VOCAB, dtype=jnp.int64 if jax.config.jax_enable_x64 else jnp.int32)
    W_emb = jax.random.normal(k2, (VOCAB, WORD_SIZE), dtype=jnp.float32) * 0.05
    W_lin = jax.random.normal(k3, (VOCAB, WORD_SIZE), dtype=jnp.float32) * 0.05
    b_lin = jnp.zeros((VOCAB,), dtype=jnp.float32)
    return {"sentences": sentences, "W_emb": W_emb, "W_lin": W_lin, "b_lin": b_lin}


def reference(sentences, W_emb, W_lin, b_lin):
    # word_embeddings = tanh(Embedding(sentences))
    word_embeddings = jnp.tanh(jnp.take(W_emb, sentences, axis=0))
    prev_embd = word_embeddings[:-2]
    next_embd = word_embeddings[2:]
    # Linear: x @ W.T + b, then log_softmax (as in the torch module)
    logits = (prev_embd + next_embd) @ W_lin.T + b_lin
    pred_word = jax.nn.log_softmax(logits, axis=1)
    targets = sentences[1:-1]
    # NOTE: torch code applies F.cross_entropy on log-softmax outputs,
    # i.e. log_softmax is applied twice. Reproduce faithfully.
    logp2 = jax.nn.log_softmax(pred_word, axis=1)
    nll = -jnp.take_along_axis(logp2, targets[:, None], axis=1)[:, 0]
    loss = jnp.mean(nll)
    return (loss, targets, pred_word)

if __name__ == "__main__":
    import jax
    _d = setup_inputs()
    print(jax.jit(kernel)(*tuple(_d.values())))

</pallas_src>

<mosaic_0001>
module attributes {stable_mosaic.version = 14 : i64} {
  func.func @_cbow_block(%arg0: i32, %arg1: memref<1x264x1xi32, #tpu.memory_space<vmem>>, %arg2: memref<1000x128xbf16, #tpu.memory_space<vmem>>, %arg3: memref<128x1000xbf16, #tpu.memory_space<vmem>>, %arg4: memref<1x1000xf32, #tpu.memory_space<vmem>>, %arg5: memref<256x1000xf32, #tpu.memory_space<vmem>>, %arg6: memref<256x1xf32, #tpu.memory_space<vmem>>) attributes {dimension_semantics = [#tpu.dimension_semantics<parallel>], iteration_bounds = array<i64: 64>, scalar_prefetch = 0 : i64, scratch_operands = 0 : i64, tpu.core_type = #tpu.core_type<tc>, window_params = [{transform_indices = @transform_0, window_bounds = array<i64: 1, 264, 1>}, {pipeline_mode = #tpu.pipeline_mode<synchronous>, transform_indices = @transform_1, window_bounds = array<i64: 1000, 128>}, {pipeline_mode = #tpu.pipeline_mode<synchronous>, transform_indices = @transform_2, window_bounds = array<i64: 128, 1000>}, {pipeline_mode = #tpu.pipeline_mode<synchronous>, transform_indices = @transform_3, window_bounds = array<i64: 1, 1000>}, {transform_indices = @transform_4, window_bounds = array<i64: 256, 1000>}, {transform_indices = @transform_5, window_bounds = array<i64: 256, 1>}]} {
    %get3A = arith.constant 0 : index
    %get3A_0 = arith.constant 0 : index
    %get3A_1 = arith.constant 0 : index
    %get3A_2 = vector.load %arg1[%get3A, %get3A_0, %get3A_1] : memref<1x264x1xi32, #tpu.memory_space<vmem>>, vector<1x264x1xi32>
    %get3A_3 = vector.shape_cast %get3A_2 : vector<1x264x1xi32> to vector<264x1xi32>
    %iota3A = tpu.iota {dimensions = array<i32: 1>} : vector<264x1000xi32>
    %eq3A = vector.broadcast %get3A_3 : vector<264x1xi32> to vector<264x1000xi32>
    %eq3A_4 = arith.cmpi eq, %eq3A, %iota3A : vector<264x1000xi32>
    %convert_element_type3A = arith.extui %eq3A_4 : vector<264x1000xi1> to vector<264x1000xi32>
    %convert_element_type3A_5 = arith.sitofp %convert_element_type3A : vector<264x1000xi32> to vector<264x1000xf32>
    %convert_element_type3A_6 = arith.truncf %convert_element_type3A_5 : vector<264x1000xf32> to vector<264x1000xbf16>
    %get3A_7 = arith.constant 0 : index
    %get3A_8 = arith.constant 0 : index
    %get3A_9 = vector.load %arg2[%get3A_7, %get3A_8] : memref<1000x128xbf16, #tpu.memory_space<vmem>>, vector<1000x128xbf16>
    %dot_general3A = arith.constant dense<0.000000e+00> : vector<264x128xf32>
    %dot_general3A_10 = tpu.matmul %convert_element_type3A_6, %get3A_9, %dot_general3A {dimension_numbers = #tpu.dot_dimension_numbers<[1], [0], [0], [1], [0, 0, 1, 1], [], []>, transpose_lhs_hint = false} : vector<264x1000xbf16>, vector<1000x128xbf16>, vector<264x128xf32> -> vector<264x128xf32>
    %tanh3A = math.tanh %dot_general3A_10 : vector<264x128xf32>
    %slice3A = vector.extract_strided_slice %tanh3A {offsets = [0, 0], sizes = [256, 128], strides = [1, 1]} : vector<264x128xf32> to vector<256x128xf32>
    %slice3A_11 = vector.extract_strided_slice %tanh3A {offsets = [2, 0], sizes = [256, 128], strides = [1, 1]} : vector<264x128xf32> to vector<256x128xf32>
    %add3A = arith.addf %slice3A, %slice3A_11 : vector<256x128xf32>
    %convert_element_type3A_12 = arith.truncf %add3A : vector<256x128xf32> to vector<256x128xbf16>
    %get3A_13 = arith.constant 0 : index
    %get3A_14 = arith.constant 0 : index
    %get3A_15 = vector.load %arg3[%get3A_13, %get3A_14] : memref<128x1000xbf16, #tpu.memory_space<vmem>>, vector<128x1000xbf16>
    %dot_general3A_16 = arith.constant dense<0.000000e+00> : vector<256x1000xf32>
    %dot_general3A_17 = tpu.matmul %convert_element_type3A_12, %get3A_15, %dot_general3A_16 {dimension_numbers = #tpu.dot_dimension_numbers<[1], [0], [0], [1], [0, 0, 1, 1], [], []>, transpose_lhs_hint = false} : vector<256x128xbf16>, vector<128x1000xbf16>, vector<256x1000xf32> -> vector<256x1000xf32>
    %get3A_18 = arith.constant 0 : index
    %get3A_19 = arith.constant 0 : index
    %get3A_20 = vector.load %arg4[%get3A_18, %get3A_19] : memref<1x1000xf32, #tpu.memory_space<vmem>>, vector<1x1000xf32>
    %add3A_21 = vector.broadcast %get3A_20 : vector<1x1000xf32> to vector<256x1000xf32>
    %add3A_22 = arith.addf %dot_general3A_17, %add3A_21 : vector<256x1000xf32>
    %reduce_max3A = arith.constant dense<0xFF800000> : vector<256xf32>
    %reduce_max3A_23 = vector.multi_reduction <maximumf>, %add3A_22, %reduce_max3A [1] : vector<256x1000xf32> to vector<256xf32>
    %broadcast_in_dim3A = vector.shape_cast %reduce_max3A_23 : vector<256xf32> to vector<256x1xf32>
    %sub3A = vector.broadcast %broadcast_in_dim3A : vector<256x1xf32> to vector<256x1000xf32>
    %sub3A_24 = arith.subf %add3A_22, %sub3A : vector<256x1000xf32>
    %exp3A = math.exp %sub3A_24 : vector<256x1000xf32>
    %reduce_sum3A = arith.constant dense<0.000000e+00> : vector<256xf32>
    %reduce_sum3A_25 = vector.multi_reduction <add>, %exp3A, %reduce_sum3A [1] : vector<256x1000xf32> to vector<256xf32>
    %broadcast_in_dim3A_26 = vector.shape_cast %reduce_sum3A_25 : vector<256xf32> to vector<256x1xf32>
    %log3A = math.log %broadcast_in_dim3A_26 : vector<256x1xf32>
    %add3A_27 = arith.addf %broadcast_in_dim3A, %log3A : vector<256x1xf32>
    %sub3A_28 = vector.broadcast %add3A_27 : vector<256x1xf32> to vector<256x1000xf32>
    %sub3A_29 = arith.subf %add3A_22, %sub3A_28 : vector<256x1000xf32>
    %swap3A = arith.constant 0 : index
    %swap3A_30 = arith.constant 0 : index
    %swap3A_31 = vector.load %arg5[%swap3A, %swap3A_30] : memref<256x1000xf32, #tpu.memory_space<vmem>>, vector<256x1000xf32>
    tpu.vector_store %arg5[%swap3A, %swap3A_30], %sub3A_29 {strides = array<i32>} : memref<256x1000xf32, #tpu.memory_space<vmem>>, vector<256x1000xf32>,
    %slice3A_32 = vector.extract_strided_slice %get3A_3 {offsets = [1, 0], sizes = [256, 1], strides = [1, 1]} : vector<264x1xi32> to vector<256x1xi32>
    %slice3A_33 = vector.extract_strided_slice %iota3A {offsets = [0, 0], sizes = [256, 1000], strides = [1, 1]} : vector<264x1000xi32> to vector<256x1000xi32>
    %eq3A_34 = vector.broadcast %slice3A_32 : vector<256x1xi32> to vector<256x1000xi32>
    %eq3A_35 = arith.cmpi eq, %slice3A_33, %eq3A_34 : vector<256x1000xi32>
    %jit3A = arith.constant 0.000000e+00 : f32
    %broadcast_in_dim3A_36 = vector.broadcast %jit3A : f32 to vector<256x1000xf32>
    %select_n3A = arith.select %eq3A_35, %sub3A_29, %broadcast_in_dim3A_36 : vector<256x1000xi1>, vector<256x1000xf32>
    %reduce_sum3A_37 = arith.constant dense<0.000000e+00> : vector<256xf32>
    %reduce_sum3A_38 = vector.multi_reduction <add>, %select_n3A, %reduce_sum3A_37 [1] : vector<256x1000xf32> to vector<256xf32>
    %broadcast_in_dim3A_39 = vector.shape_cast %reduce_sum3A_38 : vector<256xf32> to vector<256x1xf32>
    %neg3A = arith.constant 0.000000e+00 : f32
    %neg3A_40 = vector.broadcast %neg3A : f32 to vector<256x1xf32>
    %neg3A_41 = arith.subf %neg3A_40, %broadcast_in_dim3A_39 : vector<256x1xf32>
    %swap3A_42 = arith.constant 0 : index
    %swap3A_43 = arith.constant 0 : index
    %swap3A_44 = vector.load %arg6[%swap3A_42, %swap3A_43] : memref<256x1xf32, #tpu.memory_space<vmem>>, vector<256x1xf32>
    tpu.vector_store %arg6[%swap3A_42, %swap3A_43], %neg3A_41 {strides = array<i32>} : memref<256x1xf32, #tpu.memory_space<vmem>>, vector<256x1xf32>,
    return
  }
  func.func @transform_0(%arg0: i32) -> (i32, i32, i32) {
    %c0_i32 = arith.constant 0 : i32
    %c0_i32_0 = arith.constant 0 : i32
    %c0_i32_1 = arith.constant 0 : i32
    return %arg0, %c0_i32, %c0_i32_0 : i32, i32, i32
  }
  func.func @transform_1(%arg0: i32) -> (i32, i32) {
    %c0_i32 = arith.constant 0 : i32
    %c0_i32_0 = arith.constant 0 : i32
    %c0_i32_1 = arith.constant 0 : i32
    return %c0_i32, %c0_i32_0 : i32, i32
  }
  func.func @transform_2(%arg0: i32) -> (i32, i32) {
    %c0_i32 = arith.constant 0 : i32
    %c0_i32_0 = arith.constant 0 : i32
    %c0_i32_1 = arith.constant 0 : i32
    return %c0_i32, %c0_i32_0 : i32, i32
  }
  func.func @transform_3(%arg0: i32) -> (i32, i32) {
    %c0_i32 = arith.constant 0 : i32
    %c0_i32_0 = arith.constant 0 : i32
    %c0_i32_1 = arith.constant 0 : i32
    return %c0_i32, %c0_i32_0 : i32, i32
  }
  func.func @transform_4(%arg0: i32) -> (i32, i32) {
    %c0_i32 = arith.constant 0 : i32
    %c0_i32_0 = arith.constant 0 : i32
    return %arg0, %c0_i32 : i32, i32
  }
  func.func @transform_5(%arg0: i32) -> (i32, i32) {
    %c0_i32 = arith.constant 0 : i32
    %c0_i32_0 = arith.constant 0 : i32
    return %arg0, %c0_i32 : i32, i32
  }
}

</mosaic_0001>

<sc_bundles>
// kernel: gather_offload_async_start
scs
__scs_entry_jumppad:
0x0: {  	(pc) =	sbr.rel $0x88, $3  }
0x1: {  	(tag) =	ssettag $0x0;
	lr =	simm.s32 $0x1  }
0x2: {  	[smem:$0x3F9D] =	sst lr;
	_ =	strace $0xD0000000  }
0x3: {  	_ = 	snop  }
0x4: {  	_ = 	snop  }
0x5: {  	_ = 	snop  }
0x6: {  	_ = 	snop  }
0x7: {  	_ = 	snop  }
__scs_overlays_trampoline_lowered:
0x8: {  	[smem:$0x3FAC] =	sst s0  }
0x9: {  	[smem:$0x3FAD] =	sst s1  }
0xa: {  	[smem:$0x3FAE] =	sst s2  }
0xb: {  	[smem:$0x3FAF] =	sst s3  }
0xc: {  	[smem:$0x3FB0] =	sst s4  }
0xd: {  	[smem:$0x3FB1] =	sst s5  }
0xe: {  	[smem:$0x3FB2] =	sst s6  }
0xf: {  	[smem:$0x3FB3] =	sst s7  }
0x10: {  	[smem:$0x3FB4] =	sst s8  }
0x11: {  	[smem:$0x3FB5] =	sst s9;
	s0 =	simm.s32 @!p0 $0x0  }
0x12: {  	s1 =	sld [smem:$0x3F9B];
	s0 =	simm.s32 @p0 $0x1  }
0x13: {  	[smem:$0x3FB6] =	sst s0;
	s0 =	simm.s32 @!p1 $0x0  }
0x14: {  	s2 =	sld [smem:$0x3F9A];
	s0 =	simm.s32 @p1 $0x1  }
0x15: {  	[smem:$0x3FB7] =	sst s0;
	s0 =	simm.s32 @!p2 $0x0  }
0x16: {  	s3 =	sld [smem:$0x3FDB];
	s0 =	simm.s32 @p2 $0x1  }
0x17: {  	s4 =	simm.s32 $0x1BF5;
	[smem:$0x3FB9] =	sst s0  }
0x18: {  	s0 =	sld [smem:$0x3F9C];
	_ =	swait.ge [sflag:s4], $0x0  }
0x19: {  	s7 =	sld [smem:$0x3F9D]  }
0x1a: {  	s8 =	sadd.s32 $0xFFFFE003, lr  }
0x1b: {  	s9 =	sadd.s32 $0xFFFFFEF7, lr;
	s5 =	simm.s32 $0xFFFFFFFF;
	p2 =	slt.u32 s8, $0xFFFFF086  }
0x1c: {  	p1 =	slt.u32 s9, $0xF7A;
	s5 =	simm.s32 @!p2 $0x0  }
0x1d: {  	s5 =	simm.s32 @p1 $0x1;
	p0 =	seq.s32 s7, s2  }
0x1e: {  	s7 =	smul.u32 @!p0 $0xF7A, s2;
	p2 =	seq.s32 @!p0 s5, $0x0  }
0x1f: {  	s9 =	smul.u32 $0xF7A, s1;
	s8 =	simm.s32 @!p0 $0x1BF5;
	p2 =	por !p2, p0  }
0x20: {  	[sflag:s8] =	ssyncset.s32 @!p0 $0xFFFFF086;
	s6 =	sadd.s32 @!p0 s3, s7;
	s7 =	simm.s32 @!p0 $0x108  }
0x21: {  	s3 =	sadd.s32 s3, s9;
	s6 =	sadd.s32 @!p0 $0x88, s6;
	s7 =	simm.s32 @p2 $0x1082  }
0x22: {  	[simem:s7], [sflag:s8] =	dma.local @!p0 [hbm:s6], $0xF7A  }
0x23: {  	s9 =	sor.u32 $0xD0000000, s2;
	s6 =	simm.s32 $0x108;
	_ =	swait.ge @!p0 [sflag:s8], $0x0  }
0x24: {  	s3 =	sadd.s32 $0x88, s3;
	s6 =	simm.s32 @!p1 $0x1082;
	[sflag:s4] =	ssyncset.s32 $0xFFFFF086  }
0x25: {  	[simem:s6], [sflag:s4] =	dma.local [hbm:s3], $0xF7A  }
0x26: {  	[smem:$0x3F9D] =	sst s1;
	(tag) =	ssettag s2;
	_ =	strace s9  }
0x27: {  	s1 =	sld [smem:$0x3FAD]  }
0x28: {  	s2 =	sld [smem:$0x3FAE]  }
0x29: {  	s4 =	sld [smem:$0x3FB0]  }
0x2a: {  	p0 =	seq.s32 s5, $0x0;
	s5 =	sld [smem:$0x3FB1]  }
0x2b: {  	s6 =	sld [smem:$0x3FB2]  }
0x2c: {  	s7 =	sld [smem:$0x3FB3]  }
0x2d: {  	s3 =	simm.s32 $0x108;
	s8 =	sld [smem:$0x3FB4]  }
0x2e: {  	s3 =	simm.s32 @!p0 $0x1082;
	s9 =	sld [smem:$0x3FB5]  }
0x2f: {  	lr =	sadd.s32 s0, s3;
	s0 =	sld [smem:$0x3FAC]  }
0x30: {  	s3 =	sld [smem:$0x3FAF]  }
0x31: {  	[smem:$0x3FB8] =	sst s10  }
0x32: {  	s10 =	sld [smem:$0x3FB6];
	_ =	sdelay $0x3  }
0x33: {  	p0 =	seq.s32 s10, $0x1;
	s10 =	sld [smem:$0x3FB8];
	_ =	sdelay $0x3  }
0x34: {  	[smem:$0x3FB8] =	sst s10  }
0x35: {  	s10 =	sld [smem:$0x3FB7];
	_ =	sdelay $0x3  }
0x36: {  	p1 =	seq.s32 s10, $0x1;
	s10 =	sld [smem:$0x3FB8];
	_ =	sdelay $0x3  }
0x37: {  	[smem:$0x3FB8] =	sst s10  }
0x38: {  	s10 =	sld [smem:$0x3FB9]  }
0x39: {  	_ = 	snop;
	(pc) =	sbr.ind lr, $3  }
0x3a: {  	_ = 	snop  }
0x3b: {  	_ = 	snop  }
0x3c: {  	p2 =	seq.s32 s10, $0x1;
	s10 =	sld [smem:$0x3FB8]  }
0x3d: {  	_ =	shalt  }
0x3e: {  	_ =	shalt  }
0x3f: {  	_ =	shalt  }
0x40: {  	_ =	shalt  }
0x41: {  	_ =	shalt  }
0x42: {  	_ =	shalt  }
0x43: {  	_ =	shalt  }
0x44: {  	_ =	shalt  }
0x45: {  	_ =	shalt  }
0x46: {  	_ =	shalt  }
0x47: {  	_ =	shalt  }
0x48: {  	_ =	shalt  }
0x49: {  	_ =	shalt  }
0x4a: {  	_ =	shalt  }
0x4b: {  	_ =	shalt  }
0x4c: {  	_ =	shalt  }
0x4d: {  	_ =	shalt  }
0x4e: {  	_ =	shalt  }
0x4f: {  	_ =	shalt  }
0x50: {  	_ =	shalt  }
0x51: {  	_ =	shalt  }
0x52: {  	_ =	shalt  }
0x53: {  	_ =	shalt  }
0x54: {  	_ =	shalt  }
0x55: {  	_ =	shalt  }
0x56: {  	_ =	shalt  }
0x57: {  	_ =	shalt  }
0x58: {  	_ =	shalt  }
0x59: {  	_ =	shalt  }
0x5a: {  	_ =	shalt  }
0x5b: {  	_ =	shalt  }
0x5c: {  	_ =	shalt  }
0x5d: {  	_ =	shalt  }
0x5e: {  	_ =	shalt  }
0x5f: {  	_ =	shalt  }
0x60: {  	_ =	shalt  }
0x61: {  	_ =	shalt  }
0x62: {  	_ =	shalt  }
0x63: {  	_ =	shalt  }
0x64: {  	_ =	shalt  }
0x65: {  	_ =	shalt  }
0x66: {  	_ =	shalt  }
0x67: {  	_ =	shalt  }
0x68: {  	_ =	shalt  }
0x69: {  	_ =	shalt  }
0x6a: {  	_ =	shalt  }
0x6b: {  	_ =	shalt  }
0x6c: {  	_ =	shalt  }
0x6d: {  	_ =	shalt  }
0x6e: {  	_ =	shalt  }
0x6f: {  	_ =	shalt  }
0x70: {  	_ =	shalt  }
0x71: {  	_ =	shalt  }
0x72: {  	_ =	shalt  }
0x73: {  	_ =	shalt  }
0x74: {  	_ =	shalt  }
0x75: {  	_ =	shalt  }
0x76: {  	_ =	shalt  }
0x77: {  	_ =	shalt  }
0x78: {  	_ =	shalt  }
0x79: {  	_ =	shalt  }
0x7a: {  	_ =	shalt  }
0x7b: {  	_ =	shalt  }
0x7c: {  	_ =	shalt  }
0x7d: {  	_ =	shalt  }
0x7e: {  	_ =	shalt  }
0x7f: {  	_ =	shalt  }
0x80: {  	_ =	shalt  }
0x81: {  	_ =	shalt  }
0x82: {  	_ =	shalt  }
0x83: {  	_ =	shalt  }
0x84: {  	_ =	shalt  }
0x85: {  	_ =	shalt  }
0x86: {  	_ =	shalt  }
0x87: {  	_ =	shalt  }
.Lfunc_end0:
.L_simem_size_0:
called_computation_lowered:
.L_overlay_start_0:
0x88: {  	s2 =	sld [smem:$0x3FD9]  }
0x89: {  	s3 =	sld [smem:$0x3FFE];
	_ =	sdelay $0x1  }
0x8a: {  	s1 =	srdreg.scid  }
0x8b: {  	s0 =	sand.u32 $0x1, s1  }
0x8c: {  	s14 =	sshll.u32 s0, $0xA;
	s2 =	sadd.s32 s3, s2  }
0x8d: {  	s2 =	sadd.s32 s2, s14  }
0x8e: {  	[smem:$0x3FC4] =	sst s2  }
0x8f: {  	_ = 	snop  }
0x90: {  	s2 =	sld [smem:$0x3FD0];
	_ =	sdelay $0x2  }
0x91: {  	s15 =	simm.s32 $0xA;
	s4 =	simm.s32 $0x10  }
0x92: {  	[smem:s4], [sflag:s15] =	dma.local [hbm:s2], $0x1  }
0x93: {  	_ =	swait.eq [sflag:s15], $0x1  }
0x94: {  	[sflag:s15] =	ssyncset.done $0x0  }
0x95: {  	[sflag:s15] =	ssyncadd.s32 $0xFFFFFFFF  }
0x96: {  	s16 =	sld [smem:$0x12];
	(tm) =	ssettm $0x1  }
0x97: {  	s17 =	sld [smem:$0x3FFB];
	_ =	sdelay $0x3  }
0x98: {  	_ =	strace s17  }
0x99: {  	s3 =	sld [smem:$0x3FFC];
	_ =	sdelay $0x3  }
0x9a: {  	_ =	strace s3  }
0x9b: {  	s3 =	sld [smem:$0x3FFD];
	_ =	sdelay $0x3  }
0x9c: {  	_ =	strace s3  }
0x9d: {  	_ =	strace $0x8FFFFFFF  }
0x9e: {  	s18 =	sld [smem:$0x3FDB];
	_ =	sdelay $0x1  }
0x9f: {  	s19 =	simm.s32 $_scs_section_size  }
0xa0: {  	s5 =	simm.s32 $_size__tile_overlayer_lowered;
	s6 =	simm.s32 $_tile_overlayer_lowered  }
0xa1: {  	s22 =	simm.s32 $0x1BFF;
	s21 =	sshll.u32 s6, $0x1;
	s3 =	sadd.s32 s19, s18  }
0xa2: {  	s7 =	simm.s32 $0x0;
	s20 =	sshll.u32 s5, $0x1;
	s5 =	sadd.s32 s21, s3  }
0xa3: {  	[timem:s7], [sflag:s22] =	dma.local [hbm:s5], s20  }
0xa4: {  	_ =	swait.ge [sflag:s22], s20  }
0xa5: {  	s4 =	ssub.s32 $0x0, s20;
	[sflag:s22] =	ssyncset.done $0x0  }
0xa6: {  	[sflag:s22] =	ssyncadd.s32 s4;
	_ =	sdelay $0x1  }
0xa7: {  	s23 =	simm.s32 $0x1B8B  }
0xa8: {  	_ =	swait.ge [sflag:s23], $0x1  }
0xa9: {  	[sflag:s23] =	ssyncset.done $0x0  }
0xaa: {  	s25 =	simm.s32 $0x1B8E;
	s24 =	sld [smem:$0x3FFE];
	[sflag:s23] =	ssyncadd.s32 $0xFFFFFFFF  }
0xab: {  	s26 =	simm.s32 $execute0_lowered;
	[smem:$0x3FD2] =	sst s25  }
0xac: {  	s5 =	sshll.u32 s26, $0x1;
	_ =	strace $0x80000046;
	[dreg:$0x1] =	wrdreg $0xFFFFFFFF  }
0xad: {  	s28 =	simm.s32 $_size_execute0_lowered;
	s3 =	sadd.s32 s3, s5;
	[dreg:$0x0] =	wrdreg $0x0  }
0xae: {  	s5 =	sshll.u32 s28, $0x1;
	[dreg:$0x2] =	wrdreg s3  }
0xaf: {  	[dreg:$0x3] =	wrdreg s5  }
0xb0: {  	[dreg:$0x4] =	wrdreg $0xC0  }
0xb1: {  	_ =	task [dreg:s7], $0x5FFFF  }
0xb2: {  	[dreg:$0x1] =	wrdreg $0xFFFFFFFF  }
0xb3: {  	[dreg:$0x0] =	wrdreg $0x60  }
0xb4: {  	[dreg:$0x2] =	wrdreg s16  }
0xb5: {  	[dreg:$0x3] =	wrdreg s24  }
0xb6: {  	[dreg:$0x4] =	wrdreg $0x9  }
0xb7: {  	_ =	task.clear_ibuf [dreg:s7], $0x5FFFF;
	_ =	strace $0x90000046  }
0xb8: {  	s29 =	simm.s32 $0x9;
	_ =	strace $0x80000048  }
0xb9: {  	_ =	swait.ge [sflag:s29], $0x1  }
0xba: {  	[sflag:s29] =	ssyncadd.s32 $0xFFFFFFFF  }
0xbb: {  	_ =	strace $0x90000048  }
0xbc: {  	_ =	sfence  }
0xbd: {  	s30 =	sld [smem:$0x0];
	_ =	sdelay $0x2  }
0xbe: {  	s31 =	sshll.u32 s1, $0xD;
	s1 =	sshrl.u32 s1, $0x2  }
0xbf: {  	s3 =	sand.u32 $0x4000, s31;
	s1 =	sadd.s32 s1, s30  }
0xc0: {  	s0 =	sor.u32 s3, s0;
	s1 =	sshll.u32 s1, $0x11  }
0xc1: {  	s0 =	sor.u32 s1, s0  }
0xc2: {  	s0 =	sadd.s32 $0x8F2B, s0  }
0xc3: {  	[sflag:s0] =	ssyncadd.remote.s32 $0x1  }
0xc4: {  	_ =	sfence.sel $0xFFFF  }
0xc5: {  	[dreg:$0x0] =	wrdreg $0xFFFFFFFF;
	(pc) =	sbr.abs _section_cstart, $3  }
0xc6: {  	[dreg:$0x1] =	wrdreg $0xFFFFFFFF  }
0xc7: {  	_ =	task.clear_ibuf [dreg:s7], $0x2FFFF;
	_ =	strace $0x9FFFFFFF  }
0xc8: {  	(tm) =	ssettm $0x7FFFFFFF  }
0xc9: {  	_ =	shalt  }
tec
execute0_lowered:
.L_overlay_start_1:
0x0: {  	(tag) =	ssettag $0x1  }
0x1: {  	s2 =	rddreg [dreg:$0x0]  }
0x2: {  	s3 =	rddreg [dreg:$0x1];
	s1 =	stileid.u32  }
0x3: {  	s4 =	srdreg.scid;
	s0 =	rddreg [dreg:$0x2];
	_ =	strace $0x80000047  }
0x4: {  	s7 =	simm.s32 $0x1;
	s8 =	simm.s32 $0x1;
	s9 =	simm.s32 $0x3  }
0x5: {  	s10 =	simm.s32 $0x0;
	s5 =	sand.u32 $0x1, s4;
	s6 =	sshll.u32 s1, $0x1  }
0x6: {  	s13 =	simm.s32 $0x0;
	s4 =	simm.s32 $0x1;
	s5 =	sor.u32 s6, s5  }
.Ltmp0:
0x7: {  	[sflag:s4] =	ssyncpa.u1 $0x0;
	p0 =	slt.u32 s5, $0xD;
	(pc) =	sbr.rel .LBB2_1-.Ltmp0, $4  }
0x8: {  	s6 =	simm.s32 $0x2;
	s7 =	simm.s32 @!p0 $0x0;
	p0 =	sne.s32 s5, $0xC  }
0x9: {  	[sflag:s6] =	ssyncpa.u1 $0x0;
	s5 =	smul.u32 $0x180, s5;
	s8 =	simm.s32 @!p0 $0x0  }
0xa: {  	s12 =	simm.s32 $0x0;
	[sflag:s9] =	ssyncpa.u1 $0x0;
	s7 =	sadd.s32 s8, s7  }
0xb: {  	vm0 =	vmmov $0xffff;
	s8 =	sadd.s32 $0xA00, s3;
	s11 =	smov.u32 s5;
	s9 =	sadd.s32 $0x1, s7  }
.LBB2_4:
0xc: {  	v2 =	vnsel vm1, $0x0, v2  }
0xd: {  	vm1 =	vgt.s32 v0, $0x0;
	v2 =	vmin.u32 v2, $0x4107  }
0xe: {  	v0 =	vnsel vm1, $0x0, v0  }
0xf: {  	v0 =	vmin.u32 v0, $0x4107  }
0x10: {  	[tilespmem:s18], [sflag:$0x1] =	stream.indirect_vreg.gather [hbm4b:s2+s10], $0x1, v1, vm0, $0x4038;
	[tilespmem:$0x600] =	vst v63  }
0x11: {  	(ifvalue) =	ssetifvalue $0x7FFFFFFF  }
0x12: {  	[tilespmem:s15], [sflag:$0x1] =	stream.indirect_vreg.gather [hbm4b:s2+s10], $0x1, v2, vm0, $0x4038;
	[tilespmem:$0x600] =	vst v63  }
0x13: {  	s29 =	sadd.s32 $0x10, s15;
	(ifvalue) =	ssetifvalue $0x7FFFFFFF  }
0x14: {  	[tilespmem:s29], [sflag:$0x1] =	stream.indirect_vreg.gather [hbm4b:s2+s10], $0x1, v0, vm0, $0x4038;
	[tilespmem:$0x600] =	vst v63  }
0x15: {  	_ =	swait.ge [sflag:s4], $0x180  }
0x16: {  	s30 =	sshrl.u32 s13, $0x3;
	[sflag:s4] =	ssyncset.done $0x0  }
0x17: {  	s31 =	sand.u32 $0x7, s13;
	s15 =	sadd.s32 s8, s30;
	[sflag:s4] =	ssyncadd.s32 $0xFFFFFE80  }
0x18: {  	[hbm4b:s15+s31] =	stream.linear.scatter [tilespmem:s14], [sflag:$0x3], $0x180, $0x38;
	[tilespmem:$0x600] =	vst v63  }
.LBB2_5:
0x19: {  	s15 =	sadd.s32 $0x3000, s11  }
0x1a: {  	p1 =	sgt.s32 s15, $0x41FF  }
0x1b: {  	s15 =	smov.u32 @p1 s5;
	p1 =	sne.s32 s12, s9  }
.Ltmp1:
0x1c: {  	p0 =	slt.u32 s12, $0x2;
	(pc) =	sbr.rel @!p1 .LBB2_6-.Ltmp1, $4  }
0x1d: {  	s14 =	simm.s32 @!p0 $0x3  }
0x1e: {  	_ =	swait.ge @!p0 [sflag:s14], $0x180  }
0x1f: {  	s16 =	sadd.s32 $0x1, s12;
	s13 =	smov.u32 s11;
	[sflag:s14] =	ssyncset.done @!p0 $0x0  }
0x20: {  	s12 =	smov.u32 s16;
	s11 =	smov.u32 s15;
	[sflag:s14] =	ssyncadd.s32 @!p0 $0xFFFFFE80  }
.LBB2_1:
0x21: {  	p0 =	sge.u32 s12, s7  }
0x22: {  	s14 =	sxor.u32 @!p0 $0x1, s12  }
0x23: {  	s14 =	smul.u32 @!p0 $0x600, s14  }
0x24: {  	s31 =	sadd.s32 $0xFFFFFFFF, s12;
	s15 =	sshrl.u32 @!p0 s11, $0x3  }
0x25: {  	s16 =	sand.u32 @!p0 $0x7, s11;
	s15 =	sadd.s32 @!p0 s3, s15;
	s14 =	sshra.s32 @!p0 s14, $0x2  }
0x26: {  	[tilespmem:s14], [sflag:$0x2] =	stream.linear.gather @!p0 [hbm4b:s15+s16], $0x180, $0x38;
	[tilespmem:$0x600] =	vst v63  }
0x27: {  	p0 =	sge.u32 s31, s7  }
.Ltmp2:
0x28: {  	_ = 	snop;
	(pc) =	sbr.rel @p0 .LBB2_5-.Ltmp2, $1  }
0x29: {  	_ =	sdelay $0x3  }
0x2a: {  	s14 =	sand.u32 $0x1, s12  }
0x2b: {  	_ =	swait.ge [sflag:s6], $0x180;
	p0 =	seq.s32 s14, $0x1;
	s14 =	simm.s32 $0x180  }
0x2c: {  	[sflag:s6] =	ssyncset.done $0x0;
	s14 =	simm.s32 @!p0 $0x0  }
0x2d: {  	[sflag:s6] =	ssyncadd.s32 $0xFFFFFE80;
	(ifvalue) =	ssetifvalue $0x7FFFFFFF;
	v0 =	vld.msk [tilespmem:s14+$0x0 ss:$0x1], $0xffff;
	_ =	sdelay $0x4  }
0x2e: {  	s15 =	sadd.s32 $0x10, s14;
	vm1 =	vgt.s32 v0, $0x0  }
0x2f: {  	v2 =	vld.msk [tilespmem:s15+$0x0 ss:$0x1], $0xffff;
	v1 =	vnsel vm1, $0x0, v0  }
0x30: {  	v1 =	vmin.u32 v1, $0x4107;
	_ =	sdelay $0x2  }
0x31: {  	s17 =	simm.s32 $0x20;
	s14 =	sadd.s32 $0x300, s14;
	s16 =	sadd.s32 $0x10, s15  }
0x32: {  	s15 =	sadd.s32 $0x10, s14;
	s18 =	smov.u32 s14;
	v0 =	vld.msk [tilespmem:s16+$0x0 ss:$0x1], $0xffff;
	vm1 =	vgt.s32 v2, $0x0;
	(ifvalue) =	ssetifvalue $0x7FFFFFFF  }
.LBB2_3:
0x33: {  	[tilespmem:s18], [sflag:$0x1] =	stream.indirect_vreg.gather [hbm4b:s2+s10], $0x1, v1, vm0, $0x4038;
	[tilespmem:$0x600] =	vst v63  }
0x34: {  	s17 =	sadd.s32 $0x10, s17  }
0x35: {  	v2 =	vnsel vm1, $0x0, v2;
	p0 =	slt.u32 s17, $0x170  }
.Ltmp3:
0x36: {  	s18 =	smov.u32 s15;
	v1 =	vmin.u32 v2, $0x4107;
	(pc) =	sbr.rel @p0 .LBB2_3-.Ltmp3, $3  }
0x37: {  	_ =	sdelay $0x1  }
0x38: {  	s16 =	sadd.s32 $0x10, s16  }
0x39: {  	vm1 =	vgt.s32 v0, $0x0;
	s15 =	sadd.s32 $0x10, s15;
	v2 =	vmov v0;
	(ifvalue) =	ssetifvalue $0x7FFFFFFF;
	v0 =	vld.msk [tilespmem:s16+$0x0 ss:$0x1], $0xffff  }
.Ltmp4:
0x3a: {  	_ = 	snop;
	(pc) =	sbr.rel .LBB2_4-.Ltmp4, $1  }
0x3b: {  	_ =	sdelay $0x3  }
.LBB2_6:
0x3c: {  	_ =	sfence.sel $0x180000  }
0x3d: {  	s2 =	simm.s32 $0x2;
	[bflag:$0x0] =	sbarrier.arrive $0xFFFF  }
0x3e: {  	s30 =	simm.s32 $0x3;
	[sflag:s2] =	ssyncpa.u1 $0x1  }
0x3f: {  	s31 =	simm.s32 $0x1;
	[sflag:s30] =	ssyncpa.u1 $0x1  }
0x40: {  	[sflag:s31] =	ssyncpa.u1 $0x1  }
0x41: {  	p0 =	sne.s32 s1, $0x0;
	_ =	strace $0x90000047  }
0x42: {  	s0 =	sadd.s32 @!p0 $0x100000, s0;
	[bflag:$0x2] =	sbarrier.arrive $0xFFFF  }
0x43: {  	[sflag:s0] =	ssyncadd.tile.s32 @!p0 $0x1;
	_ =	shalt  }
.Lfunc_end2:
_tile_overlayer_lowered:
.L_overlay_start_2:
0x44: {  	(tag) =	ssettag $0x2  }
0x45: {  	s0 =	rddreg [dreg:$0x0];
	s2 =	stileid.u32  }
0x46: {  	s1 =	rddreg [dreg:$0x1];
	p0 =	sne.s32 s2, $0x0  }
0x47: {  	s3 =	rddreg [dreg:$0x2];
	[bflag:$0x3] =	sbarrier.arrive $0xFFFF;
	s2 =	simm.s32 @!p0 $0x1C01  }
0x48: {  	[timem:s3], [sflag:s2] =	dma.local @!p0 [hbm:s0], s1  }
0x49: {  	s0 =	simm.s32 @!p0 $0x1  }
0x4a: {  	_ =	swait.ge @!p0 [sflag:s0], s1  }
0x4b: {  	s1 =	ssub.s32 @!p0 $0x0, s1;
	[sflag:s0] =	ssyncset.done @!p0 $0x0  }
0x4c: {  	[sflag:s0] =	ssyncadd.s32 @!p0 s1  }
0x4d: {  	[bflag:$0x3] =	sbarrier.arrive $0xFFFF  }
0x4e: {  	_ =	shalt  }

</sc_bundles>
